<compile_context>
chip_gen: v7x
topology: tpu7x:2x2x1
jax: 0.10.2.dev20260603
libtpu: 0.0.44.dev20260713+nightly
codegen_flags: <defaults>
</compile_context>

<pallas_src>
import functools

import jax
import jax.numpy as jnp
from jax import lax
from jax.experimental import pallas as pl
from jax.experimental.pallas import tpu as pltpu
from jax.experimental.pallas import tpu_sc as plsc

_VOCAB = 1000000
_D = 16
_B = 16384
_EPS = 1e-8
_G = 128 // _D
_BR = _B // _G
_TW = 40960
_TN = -(-_VOCAB // _TW)


@functools.cache
def _make_sc_gather():
    info = plsc.get_sparse_core_info()
    nc, ns = info.num_cores, info.num_subcores
    nw = nc * ns
    bpw = _B // nw
    mesh = plsc.VectorSubcoreMesh(core_axis_name="c", subcore_axis_name="s")
    rows = jax.ShapeDtypeStruct((_B, _D), jnp.float32)

    @functools.partial(
        pl.kernel,
        mesh=mesh,
        out_type=(rows, rows, rows, rows),
        scratch_types=[
            pltpu.VMEM((bpw,), jnp.int32),
            pltpu.VMEM((bpw,), jnp.int32),
            pltpu.VMEM((bpw, _D), jnp.float32),
            pltpu.VMEM((bpw, _D), jnp.float32),
            pltpu.VMEM((bpw, _D), jnp.float32),
            pltpu.VMEM((bpw, _D), jnp.float32),
            pltpu.SemaphoreType.DMA,
        ],
        compiler_params=pltpu.CompilerParams(use_tc_tiling_on_sc=False),
    )
    def gather(min_hbm, del_hbm, i1_hbm, i2_hbm,
               o1m, o1d, o2m, o2d,
               i1_v, i2_v, b1, b2, b3, b4, sem):
        wid = lax.axis_index("s") * nc + lax.axis_index("c")
        base = wid * bpw
        pltpu.sync_copy(i1_hbm.at[pl.ds(base, bpw)], i1_v)
        pltpu.sync_copy(i2_hbm.at[pl.ds(base, bpw)], i2_v)
        c1 = pltpu.async_copy(min_hbm.at[i1_v], b1, sem)
        c2 = pltpu.async_copy(del_hbm.at[i1_v], b2, sem)
        c3 = pltpu.async_copy(min_hbm.at[i2_v], b3, sem)
        c4 = pltpu.async_copy(del_hbm.at[i2_v], b4, sem)
        c1.wait()
        c2.wait()
        c3.wait()
        c4.wait()
        pltpu.sync_copy(b1, o1m.at[pl.ds(base, bpw)])
        pltpu.sync_copy(b2, o1d.at[pl.ds(base, bpw)])
        pltpu.sync_copy(b3, o2m.at[pl.ds(base, bpw)])
        pltpu.sync_copy(b4, o2d.at[pl.ds(base, bpw)])

    return gather


def _seg_sum(x, sel):
    return lax.dot_general(x, sel, (((1,), (0,)), ((), ())),
                           precision=lax.Precision.HIGHEST,
                           preferred_element_type=jnp.float32)


def _loss_body(t1m, t1d, t2m, t2d, lab, minb, delb, out_ref):
    i = pl.program_id(0)
    vcol = lax.broadcasted_iota(jnp.int32, (_D, _TW), 1) + i * _TW
    regv = jnp.where(vcol < _VOCAB, jnp.abs(1.0 - minb[...] - delb[...]), 0.0)
    reg = jnp.sum(regv)

    @pl.when(i == 0)
    def _():
        lane_grp = lax.broadcasted_iota(jnp.int32, (128, _G), 0) // _D
        grp = lax.broadcasted_iota(jnp.int32, (128, _G), 1)
        sel = (lane_grp == grp).astype(jnp.float32)

        a_lo = t1m[...]
        a_hi = a_lo + t1d[...]
        b_lo = t2m[...]
        b_hi = b_lo + t2d[...]
        meet_lo = jnp.maximum(a_lo, b_lo)
        meet_hi = jnp.minimum(a_hi, b_hi)
        join_lo = jnp.minimum(a_lo, b_lo)
        join_hi = jnp.maximum(a_hi, b_hi)

        def lv(lo, hi):
            return _seg_sum(jnp.log(jnp.clip(hi - lo, _EPS, None)), sel)

        log_meet = lv(meet_lo, meet_hi)
        log_join = lv(join_lo, join_hi)
        log_t1 = lv(a_lo, a_hi)
        log_t2 = lv(b_lo, b_hi)
        disj_cnt = _seg_sum((meet_hi <= meet_lo).astype(jnp.float32), sel)
        disj = disj_cnt > 0.0

        cond = log_meet - log_t2
        pos_overlap = -cond
        upper = jnp.clip(jnp.exp(log_join) - jnp.exp(log_t1) - jnp.exp(log_t2),
                         _EPS, None)
        pos_disjoint = -(jnp.log(upper) - log_t2)
        train_pos = jnp.where(disj, pos_disjoint, pos_overlap)
        neg_overlap = -jnp.log(jnp.clip(1.0 - jnp.exp(cond), _EPS, None))
        train_neg = jnp.where(disj, 0.0, neg_overlap)
        lb = lab[...]
        cond_loss = (jnp.sum(train_pos * lb)
                     + jnp.sum(train_neg * (1.0 - lb))) / (_B / 2)
        out_ref[0, 0] = cond_loss

    out_ref[0, 0] += reg * (0.0001 / _VOCAB)


def kernel(t1x, t2x, label, min_embed, delta_embed):
    i1 = t1x[:, 0].astype(jnp.int32)
    i2 = t2x[:, 0].astype(jnp.int32)
    t1m, t1d, t2m, t2d = _make_sc_gather()(min_embed, delta_embed, i1, i2)
    lab = label.reshape(_BR, _G)
    wide = lambda a: a.reshape(_BR, 128)
    min_w = jnp.swapaxes(min_embed, 0, 1)
    del_w = jnp.swapaxes(delta_embed, 0, 1)

    batch_spec = pl.BlockSpec((_BR, 128), lambda i: (0, 0))
    lab_spec = pl.BlockSpec((_BR, _G), lambda i: (0, 0))
    tab_spec = pl.BlockSpec((_D, _TW), lambda i: (0, i))
    loss = pl.pallas_call(
        _loss_body,
        grid=(_TN,),
        in_specs=[batch_spec, batch_spec, batch_spec, batch_spec,
                  lab_spec, tab_spec, tab_spec],
        out_specs=pl.BlockSpec(memory_space=pltpu.SMEM),
        out_shape=jax.ShapeDtypeStruct((1, 1), jnp.float32),
    )(wide(t1m), wide(t1d), wide(t2m), wide(t2d), lab, min_w, del_w)
    return loss[0, 0]

# --- scband reference (transcript-rebuilt; emitter-appended) ---
"""Pipeline reference for scband-torch-model-75677323755635 (READ-ONLY COPY).

The authoritative reference and input builder live on the scoring server;
editing this copy changes nothing except your own understanding.
"""

import jax, jax.numpy as jnp
import numpy as np

VOCAB = 1000000
EMBED_DIM = 16
BATCH = 16384
EPS = 1e-8


def setup_inputs(seed: int = 0) -> dict:
    key = jax.random.key(seed)
    k1, k2, k3, k4, k5 = jax.random.split(key, 5)
    t1x = jax.random.randint(k1, (BATCH, 1), 0, VOCAB, dtype=jnp.int64) if jax.config.jax_enable_x64 else jax.random.randint(k1, (BATCH, 1), 0, VOCAB).astype(jnp.int32)
    t2x = jax.random.randint(k2, (BATCH, 1), 0, VOCAB).astype(t1x.dtype)
    label = (jax.random.uniform(k3, (BATCH,)) < 0.5).astype(jnp.float32)
    # uniform measure, non-term init scales: min in [0.0001, 0.01], delta in [0.9, 0.999]
    min_embed = jax.random.uniform(k4, (VOCAB, EMBED_DIM), dtype=jnp.float32) * (0.01 - 0.0001) + 0.0001
    delta_embed = jax.random.uniform(k5, (VOCAB, EMBED_DIM), dtype=jnp.float32) * (0.999 - 0.9) + 0.9
    return {"t1x": t1x, "t2x": t2x, "label": label, "min_embed": min_embed, "delta_embed": delta_embed}


def _log_vol(lo, hi):
    return jnp.sum(jnp.log(jnp.clip(hi - lo, EPS, None)), axis=1)


def reference(t1x, t2x, label, min_embed, delta_embed):
    # embedding lookups (F.embedding on [B,1] then squeeze dim 1)
    t1_min = jnp.take(min_embed, t1x[:, 0], axis=0)
    t1_delta = jnp.take(delta_embed, t1x[:, 0], axis=0)
    t2_min = jnp.take(min_embed, t2x[:, 0], axis=0)
    t2_delta = jnp.take(delta_embed, t2x[:, 0], axis=0)
    t1_max = t1_min + t1_delta
    t2_max = t2_min + t2_delta
    # unit_cube.calc_join_and_meet
    join_min = jnp.minimum(t1_min, t2_min)
    join_max = jnp.maximum(t1_max, t2_max)
    meet_min = jnp.maximum(t1_min, t2_min)
    meet_max = jnp.minimum(t1_max, t2_max)
    disjoint = jnp.any(meet_max <= meet_min, axis=1)
    # log volumes under the uniform measure
    log_meet = _log_vol(meet_min, meet_max)
    log_join = _log_vol(join_min, join_max)
    log_t1 = _log_vol(t1_min, t1_max)
    log_t2 = _log_vol(t2_min, t2_max)
    cond_log_prob = log_meet - log_t2  # log p(t1 | t2)
    # positive-pair losses
    pos_overlap = -cond_log_prob  # lambda_batch_log_prob
    upper = jnp.clip(jnp.exp(log_join) - jnp.exp(log_t1) - jnp.exp(log_t2), EPS, None)
    pos_disjoint = -(jnp.log(upper) - log_t2)  # lambda_batch_log_upper_bound
    train_pos_prob = jnp.where(disjoint, pos_disjoint, pos_overlap)
    # negative-pair losses
    neg_overlap = -jnp.log(jnp.clip(1.0 - jnp.exp(cond_log_prob), EPS, None))  # lambda_batch_log_1minus_prob
    train_neg_prob = jnp.where(disjoint, jnp.zeros_like(neg_overlap), neg_overlap)  # lambda_zero for disjoint
    pos = train_pos_prob * label
    neg = train_neg_prob * (1.0 - label)
    batch_size = BATCH
    cond_loss = jnp.sum(pos) / (batch_size / 2) + jnp.sum(neg) / (batch_size / 2)
    regularization = 0.0001 * jnp.sum(jnp.abs(1.0 - min_embed - delta_embed)) / VOCAB
    loss = cond_loss + regularization
    return loss

if __name__ == "__main__":
    import jax
    _d = setup_inputs()
    print(jax.jit(kernel)(*tuple(_d.values())))

</pallas_src>

<mosaic_0001>
#map = affine_map<(d0, d1) -> (0, 0)>
#map1 = affine_map<(d0, d1) -> (0)>
module attributes {stable_mosaic.version = 14 : i64} {
  func.func @gather(%arg0: i32, %arg1: i32, %arg2: memref<1000000x16xf32, #tpu.memory_space<hbm>>, %arg3: memref<1000000x16xf32, #tpu.memory_space<hbm>>, %arg4: memref<16384xi32, #tpu.memory_space<hbm>>, %arg5: memref<16384xi32, #tpu.memory_space<hbm>>, %arg6: memref<16384x16xf32, #tpu.memory_space<hbm>>, %arg7: memref<16384x16xf32, #tpu.memory_space<hbm>>, %arg8: memref<16384x16xf32, #tpu.memory_space<hbm>>, %arg9: memref<16384x16xf32, #tpu.memory_space<hbm>>, %arg10: memref<512xi32, #tpu.memory_space<vmem>>, %arg11: memref<512xi32, #tpu.memory_space<vmem>>, %arg12: memref<512x16xf32, #tpu.memory_space<vmem>>, %arg13: memref<512x16xf32, #tpu.memory_space<vmem>>, %arg14: memref<512x16xf32, #tpu.memory_space<vmem>>, %arg15: memref<512x16xf32, #tpu.memory_space<vmem>>, %arg16: memref<!tpu.dma_semaphore, #tpu.memory_space<semaphore_mem>>) attributes {dimension_semantics = [#tpu.dimension_semantics<core_parallel>, #tpu.dimension_semantics<subcore_parallel>], iteration_bounds = array<i64: 2, 16>, scalar_prefetch = 0 : i64, scratch_operands = 7 : i64, tpu.core_type = #tpu.core_type<sc_vector_subcore>, window_params = [{transform_indices = #map}, {transform_indices = #map}, {transform_indices = #map1}, {transform_indices = #map1}, {transform_indices = #map}, {transform_indices = #map}, {transform_indices = #map}, {transform_indices = #map}]} {
    %mul3A = arith.constant 2 : i32
    %mul3A_0 = arith.muli %arg1, %mul3A : i32
    %add3A = arith.addi %mul3A_0, %arg0 : i32
    %mul3A_1 = arith.constant 512 : i32
    %mul3A_2 = arith.muli %add3A, %mul3A_1 : i32
    "tpu.region"() ({
      %run_scoped3A = tpu.sem_alloc : memref<!tpu.dma_semaphore, #tpu.memory_space<semaphore_mem>>
      %dma_start3A_25 = tpu.memref_slice %arg4[%mul3A_2] : memref<16384xi32, #tpu.memory_space<hbm>> -> memref<512xi32, #tpu.memory_space<hbm>>
      %dma_start3A_26 = tpu.memref_slice %arg4[%mul3A_2] : memref<16384xi32, #tpu.memory_space<hbm>> -> memref<512xi32, #tpu.memory_space<hbm>>
      tpu.enqueue_dma source(%dma_start3A_26 : memref<512xi32, #tpu.memory_space<hbm>>) target(%arg10 : memref<512xi32, #tpu.memory_space<vmem>>) target_semaphore(%run_scoped3A : memref<!tpu.dma_semaphore, #tpu.memory_space<semaphore_mem>>)
      %dma_wait3A_27 = tpu.memref_slice %arg4[%mul3A_2] : memref<16384xi32, #tpu.memory_space<hbm>> -> memref<512xi32, #tpu.memory_space<hbm>>
      %dma_wait3A_28 = tpu.memref_slice %arg4[%mul3A_2] : memref<16384xi32, #tpu.memory_space<hbm>> -> memref<512xi32, #tpu.memory_space<hbm>>
      tpu.wait_dma2 semaphore(%run_scoped3A : memref<!tpu.dma_semaphore, #tpu.memory_space<semaphore_mem>>) src(%dma_wait3A_28 : memref<512xi32, #tpu.memory_space<hbm>>) dst(%arg10 : memref<512xi32, #tpu.memory_space<vmem>>)
      tpu.yield
    }) : () -> ()
    "tpu.region"() ({
      %run_scoped3A = tpu.sem_alloc : memref<!tpu.dma_semaphore, #tpu.memory_space<semaphore_mem>>
      %dma_start3A_25 = tpu.memref_slice %arg5[%mul3A_2] : memref<16384xi32, #tpu.memory_space<hbm>> -> memref<512xi32, #tpu.memory_space<hbm>>
      %dma_start3A_26 = tpu.memref_slice %arg5[%mul3A_2] : memref<16384xi32, #tpu.memory_space<hbm>> -> memref<512xi32, #tpu.memory_space<hbm>>
      tpu.enqueue_dma source(%dma_start3A_26 : memref<512xi32, #tpu.memory_space<hbm>>) target(%arg11 : memref<512xi32, #tpu.memory_space<vmem>>) target_semaphore(%run_scoped3A : memref<!tpu.dma_semaphore, #tpu.memory_space<semaphore_mem>>)
      %dma_wait3A_27 = tpu.memref_slice %arg5[%mul3A_2] : memref<16384xi32, #tpu.memory_space<hbm>> -> memref<512xi32, #tpu.memory_space<hbm>>
      %dma_wait3A_28 = tpu.memref_slice %arg5[%mul3A_2] : memref<16384xi32, #tpu.memory_space<hbm>> -> memref<512xi32, #tpu.memory_space<hbm>>
      tpu.wait_dma2 semaphore(%run_scoped3A : memref<!tpu.dma_semaphore, #tpu.memory_space<semaphore_mem>>) src(%dma_wait3A_28 : memref<512xi32, #tpu.memory_space<hbm>>) dst(%arg11 : memref<512xi32, #tpu.memory_space<vmem>>)
      tpu.yield
    }) : () -> ()
    %dma_start3A = arith.constant 0 : i32
    %dma_start3A_3 = arith.constant 0 : i32
    %dma_start3A_4 = tpu.memref_slice %arg2[%dma_start3A, %dma_start3A_3] : memref<1000000x16xf32, #tpu.memory_space<hbm>> -> memref<1000000x16xf32, #tpu.memory_space<hbm>>
    tpu.enqueue_indirect_dma source(%dma_start3A_4 : memref<1000000x16xf32, #tpu.memory_space<hbm>>) target(%arg12 : memref<512x16xf32, #tpu.memory_space<vmem>>) offsets(%arg10 : memref<512xi32, #tpu.memory_space<vmem>>) semaphore(%arg16 : memref<!tpu.dma_semaphore, #tpu.memory_space<semaphore_mem>>)
    %dma_start3A_5 = arith.constant 0 : i32
    %dma_start3A_6 = arith.constant 0 : i32
    %dma_start3A_7 = tpu.memref_slice %arg3[%dma_start3A_5, %dma_start3A_6] : memref<1000000x16xf32, #tpu.memory_space<hbm>> -> memref<1000000x16xf32, #tpu.memory_space<hbm>>
    tpu.enqueue_indirect_dma source(%dma_start3A_7 : memref<1000000x16xf32, #tpu.memory_space<hbm>>) target(%arg13 : memref<512x16xf32, #tpu.memory_space<vmem>>) offsets(%arg10 : memref<512xi32, #tpu.memory_space<vmem>>) semaphore(%arg16 : memref<!tpu.dma_semaphore, #tpu.memory_space<semaphore_mem>>)
    %dma_start3A_8 = arith.constant 0 : i32
    %dma_start3A_9 = arith.constant 0 : i32
    %dma_start3A_10 = tpu.memref_slice %arg2[%dma_start3A_8, %dma_start3A_9] : memref<1000000x16xf32, #tpu.memory_space<hbm>> -> memref<1000000x16xf32, #tpu.memory_space<hbm>>
    tpu.enqueue_indirect_dma source(%dma_start3A_10 : memref<1000000x16xf32, #tpu.memory_space<hbm>>) target(%arg14 : memref<512x16xf32, #tpu.memory_space<vmem>>) offsets(%arg11 : memref<512xi32, #tpu.memory_space<vmem>>) semaphore(%arg16 : memref<!tpu.dma_semaphore, #tpu.memory_space<semaphore_mem>>)
    %dma_start3A_11 = arith.constant 0 : i32
    %dma_start3A_12 = arith.constant 0 : i32
    %dma_start3A_13 = tpu.memref_slice %arg3[%dma_start3A_11, %dma_start3A_12] : memref<1000000x16xf32, #tpu.memory_space<hbm>> -> memref<1000000x16xf32, #tpu.memory_space<hbm>>
    tpu.enqueue_indirect_dma source(%dma_start3A_13 : memref<1000000x16xf32, #tpu.memory_space<hbm>>) target(%arg15 : memref<512x16xf32, #tpu.memory_space<vmem>>) offsets(%arg11 : memref<512xi32, #tpu.memory_space<vmem>>) semaphore(%arg16 : memref<!tpu.dma_semaphore, #tpu.memory_space<semaphore_mem>>)
    %dma_wait3A = arith.constant 0 : i32
    %dma_wait3A_14 = arith.constant 0 : i32
    %dma_wait3A_15 = tpu.memref_slice %arg2[%dma_wait3A, %dma_wait3A_14] : memref<1000000x16xf32, #tpu.memory_space<hbm>> -> memref<1000000x16xf32, #tpu.memory_space<hbm>>
    tpu.wait_indirect_dma semaphore(%arg16 : memref<!tpu.dma_semaphore, #tpu.memory_space<semaphore_mem>>) src(%dma_wait3A_15 : memref<1000000x16xf32, #tpu.memory_space<hbm>>) dst(%arg12 : memref<512x16xf32, #tpu.memory_space<vmem>>)
    %dma_wait3A_16 = arith.constant 0 : i32
    %dma_wait3A_17 = arith.constant 0 : i32
    %dma_wait3A_18 = tpu.memref_slice %arg3[%dma_wait3A_16, %dma_wait3A_17] : memref<1000000x16xf32, #tpu.memory_space<hbm>> -> memref<1000000x16xf32, #tpu.memory_space<hbm>>
    tpu.wait_indirect_dma semaphore(%arg16 : memref<!tpu.dma_semaphore, #tpu.memory_space<semaphore_mem>>) src(%dma_wait3A_18 : memref<1000000x16xf32, #tpu.memory_space<hbm>>) dst(%arg13 : memref<512x16xf32, #tpu.memory_space<vmem>>)
    %dma_wait3A_19 = arith.constant 0 : i32
    %dma_wait3A_20 = arith.constant 0 : i32
    %dma_wait3A_21 = tpu.memref_slice %arg2[%dma_wait3A_19, %dma_wait3A_20] : memref<1000000x16xf32, #tpu.memory_space<hbm>> -> memref<1000000x16xf32, #tpu.memory_space<hbm>>
    tpu.wait_indirect_dma semaphore(%arg16 : memref<!tpu.dma_semaphore, #tpu.memory_space<semaphore_mem>>) src(%dma_wait3A_21 : memref<1000000x16xf32, #tpu.memory_space<hbm>>) dst(%arg14 : memref<512x16xf32, #tpu.memory_space<vmem>>)
    %dma_wait3A_22 = arith.constant 0 : i32
    %dma_wait3A_23 = arith.constant 0 : i32
    %dma_wait3A_24 = tpu.memref_slice %arg3[%dma_wait3A_22, %dma_wait3A_23] : memref<1000000x16xf32, #tpu.memory_space<hbm>> -> memref<1000000x16xf32, #tpu.memory_space<hbm>>
    tpu.wait_indirect_dma semaphore(%arg16 : memref<!tpu.dma_semaphore, #tpu.memory_space<semaphore_mem>>) src(%dma_wait3A_24 : memref<1000000x16xf32, #tpu.memory_space<hbm>>) dst(%arg15 : memref<512x16xf32, #tpu.memory_space<vmem>>)
    "tpu.region"() ({
      %run_scoped3A = tpu.sem_alloc : memref<!tpu.dma_semaphore, #tpu.memory_space<semaphore_mem>>
      %dma_start3A_25 = arith.constant 0 : i32
      %dma_start3A_26 = tpu.memref_slice %arg6[%mul3A_2, %dma_start3A_25] : memref<16384x16xf32, #tpu.memory_space<hbm>> -> memref<512x16xf32, #tpu.memory_space<hbm>>
      %dma_start3A_27 = arith.constant 0 : i32
      %dma_start3A_28 = tpu.memref_slice %arg6[%mul3A_2, %dma_start3A_27] : memref<16384x16xf32, #tpu.memory_space<hbm>> -> memref<512x16xf32, #tpu.memory_space<hbm>>
      tpu.enqueue_dma source(%arg12 : memref<512x16xf32, #tpu.memory_space<vmem>>) target(%dma_start3A_28 : memref<512x16xf32, #tpu.memory_space<hbm>>) target_semaphore(%run_scoped3A : memref<!tpu.dma_semaphore, #tpu.memory_space<semaphore_mem>>)
      %dma_wait3A_29 = arith.constant 0 : i32
      %dma_wait3A_30 = tpu.memref_slice %arg6[%mul3A_2, %dma_wait3A_29] : memref<16384x16xf32, #tpu.memory_space<hbm>> -> memref<512x16xf32, #tpu.memory_space<hbm>>
      %dma_wait3A_31 = arith.constant 0 : i32
      %dma_wait3A_32 = tpu.memref_slice %arg6[%mul3A_2, %dma_wait3A_31] : memref<16384x16xf32, #tpu.memory_space<hbm>> -> memref<512x16xf32, #tpu.memory_space<hbm>>
      tpu.wait_dma2 semaphore(%run_scoped3A : memref<!tpu.dma_semaphore, #tpu.memory_space<semaphore_mem>>) src(%arg12 : memref<512x16xf32, #tpu.memory_space<vmem>>) dst(%dma_wait3A_32 : memref<512x16xf32, #tpu.memory_space<hbm>>)
      tpu.yield
    }) : () -> ()
    "tpu.region"() ({
      %run_scoped3A = tpu.sem_alloc : memref<!tpu.dma_semaphore, #tpu.memory_space<semaphore_mem>>
      %dma_start3A_25 = arith.constant 0 : i32
      %dma_start3A_26 = tpu.memref_slice %arg7[%mul3A_2, %dma_start3A_25] : memref<16384x16xf32, #tpu.memory_space<hbm>> -> memref<512x16xf32, #tpu.memory_space<hbm>>
      %dma_start3A_27 = arith.constant 0 : i32
      %dma_start3A_28 = tpu.memref_slice %arg7[%mul3A_2, %dma_start3A_27] : memref<16384x16xf32, #tpu.memory_space<hbm>> -> memref<512x16xf32, #tpu.memory_space<hbm>>
      tpu.enqueue_dma source(%arg13 : memref<512x16xf32, #tpu.memory_space<vmem>>) target(%dma_start3A_28 : memref<512x16xf32, #tpu.memory_space<hbm>>) target_semaphore(%run_scoped3A : memref<!tpu.dma_semaphore, #tpu.memory_space<semaphore_mem>>)
      %dma_wait3A_29 = arith.constant 0 : i32
      %dma_wait3A_30 = tpu.memref_slice %arg7[%mul3A_2, %dma_wait3A_29] : memref<16384x16xf32, #tpu.memory_space<hbm>> -> memref<512x16xf32, #tpu.memory_space<hbm>>
      %dma_wait3A_31 = arith.constant 0 : i32
      %dma_wait3A_32 = tpu.memref_slice %arg7[%mul3A_2, %dma_wait3A_31] : memref<16384x16xf32, #tpu.memory_space<hbm>> -> memref<512x16xf32, #tpu.memory_space<hbm>>
      tpu.wait_dma2 semaphore(%run_scoped3A : memref<!tpu.dma_semaphore, #tpu.memory_space<semaphore_mem>>) src(%arg13 : memref<512x16xf32, #tpu.memory_space<vmem>>) dst(%dma_wait3A_32 : memref<512x16xf32, #tpu.memory_space<hbm>>)
      tpu.yield
    }) : () -> ()
    "tpu.region"() ({
      %run_scoped3A = tpu.sem_alloc : memref<!tpu.dma_semaphore, #tpu.memory_space<semaphore_mem>>
      %dma_start3A_25 = arith.constant 0 : i32
      %dma_start3A_26 = tpu.memref_slice %arg8[%mul3A_2, %dma_start3A_25] : memref<16384x16xf32, #tpu.memory_space<hbm>> -> memref<512x16xf32, #tpu.memory_space<hbm>>
      %dma_start3A_27 = arith.constant 0 : i32
      %dma_start3A_28 = tpu.memref_slice %arg8[%mul3A_2, %dma_start3A_27] : memref<16384x16xf32, #tpu.memory_space<hbm>> -> memref<512x16xf32, #tpu.memory_space<hbm>>
      tpu.enqueue_dma source(%arg14 : memref<512x16xf32, #tpu.memory_space<vmem>>) target(%dma_start3A_28 : memref<512x16xf32, #tpu.memory_space<hbm>>) target_semaphore(%run_scoped3A : memref<!tpu.dma_semaphore, #tpu.memory_space<semaphore_mem>>)
      %dma_wait3A_29 = arith.constant 0 : i32
      %dma_wait3A_30 = tpu.memref_slice %arg8[%mul3A_2, %dma_wait3A_29] : memref<16384x16xf32, #tpu.memory_space<hbm>> -> memref<512x16xf32, #tpu.memory_space<hbm>>
      %dma_wait3A_31 = arith.constant 0 : i32
      %dma_wait3A_32 = tpu.memref_slice %arg8[%mul3A_2, %dma_wait3A_31] : memref<16384x16xf32, #tpu.memory_space<hbm>> -> memref<512x16xf32, #tpu.memory_space<hbm>>
      tpu.wait_dma2 semaphore(%run_scoped3A : memref<!tpu.dma_semaphore, #tpu.memory_space<semaphore_mem>>) src(%arg14 : memref<512x16xf32, #tpu.memory_space<vmem>>) dst(%dma_wait3A_32 : memref<512x16xf32, #tpu.memory_space<hbm>>)
      tpu.yield
    }) : () -> ()
    "tpu.region"() ({
      %run_scoped3A = tpu.sem_alloc : memref<!tpu.dma_semaphore, #tpu.memory_space<semaphore_mem>>
      %dma_start3A_25 = arith.constant 0 : i32
      %dma_start3A_26 = tpu.memref_slice %arg9[%mul3A_2, %dma_start3A_25] : memref<16384x16xf32, #tpu.memory_space<hbm>> -> memref<512x16xf32, #tpu.memory_space<hbm>>
      %dma_start3A_27 = arith.constant 0 : i32
      %dma_start3A_28 = tpu.memref_slice %arg9[%mul3A_2, %dma_start3A_27] : memref<16384x16xf32, #tpu.memory_space<hbm>> -> memref<512x16xf32, #tpu.memory_space<hbm>>
      tpu.enqueue_dma source(%arg15 : memref<512x16xf32, #tpu.memory_space<vmem>>) target(%dma_start3A_28 : memref<512x16xf32, #tpu.memory_space<hbm>>) target_semaphore(%run_scoped3A : memref<!tpu.dma_semaphore, #tpu.memory_space<semaphore_mem>>)
      %dma_wait3A_29 = arith.constant 0 : i32
      %dma_wait3A_30 = tpu.memref_slice %arg9[%mul3A_2, %dma_wait3A_29] : memref<16384x16xf32, #tpu.memory_space<hbm>> -> memref<512x16xf32, #tpu.memory_space<hbm>>
      %dma_wait3A_31 = arith.constant 0 : i32
      %dma_wait3A_32 = tpu.memref_slice %arg9[%mul3A_2, %dma_wait3A_31] : memref<16384x16xf32, #tpu.memory_space<hbm>> -> memref<512x16xf32, #tpu.memory_space<hbm>>
      tpu.wait_dma2 semaphore(%run_scoped3A : memref<!tpu.dma_semaphore, #tpu.memory_space<semaphore_mem>>) src(%arg15 : memref<512x16xf32, #tpu.memory_space<vmem>>) dst(%dma_wait3A_32 : memref<512x16xf32, #tpu.memory_space<hbm>>)
      tpu.yield
    }) : () -> ()
    return
  }
}

module attributes {stable_mosaic.version = 14 : i64} {
  func.func @_loss_body(%arg0: i32, %arg1: memref<2048x128xf32, #tpu.memory_space<vmem>>, %arg2: memref<2048x128xf32, #tpu.memory_space<vmem>>, %arg3: memref<2048x128xf32, #tpu.memory_space<vmem>>, %arg4: memref<2048x128xf32, #tpu.memory_space<vmem>>, %arg5: memref<2048x8xf32, #tpu.memory_space<vmem>>, %arg6: memref<16x40960xf32, #tpu.memory_space<vmem>>, %arg7: memref<16x40960xf32, #tpu.memory_space<vmem>>, %arg8: memref<1x1xf32, #tpu.memory_space<smem>>) attributes {dimension_semantics = [#tpu.dimension_semantics<arbitrary>], iteration_bounds = array<i64: 25>, scalar_prefetch = 0 : i64, scratch_operands = 0 : i64, tpu.core_type = #tpu.core_type<tc>, window_params = [{pipeline_mode = #tpu.pipeline_mode<synchronous>, transform_indices = @transform_0, window_bounds = array<i64: 2048, 128>}, {pipeline_mode = #tpu.pipeline_mode<synchronous>, transform_indices = @transform_1, window_bounds = array<i64: 2048, 128>}, {pipeline_mode = #tpu.pipeline_mode<synchronous>, transform_indices = @transform_2, window_bounds = array<i64: 2048, 128>}, {pipeline_mode = #tpu.pipeline_mode<synchronous>, transform_indices = @transform_3, window_bounds = array<i64: 2048, 128>}, {pipeline_mode = #tpu.pipeline_mode<synchronous>, transform_indices = @transform_4, window_bounds = array<i64: 2048, 8>}, {transform_indices = @transform_5, window_bounds = array<i64: 16, 40960>}, {transform_indices = @transform_6, window_bounds = array<i64: 16, 40960>}, {transform_indices = @transform_7, window_bounds = array<i64: 1, 1>}]} {
    %iota3A = tpu.iota {dimensions = array<i32: 1>} : vector<16x40960xi32>
    %mul3A = arith.constant 40960 : i32
    %mul3A_0 = arith.muli %arg0, %mul3A : i32
    %add3A = vector.broadcast %mul3A_0 : i32 to vector<16x40960xi32>
    %add3A_1 = arith.addi %iota3A, %add3A : vector<16x40960xi32>
    %lt3A = arith.constant 1000000 : i32
    %lt3A_2 = vector.broadcast %lt3A : i32 to vector<16x40960xi32>
    %lt3A_3 = arith.cmpi slt, %add3A_1, %lt3A_2 : vector<16x40960xi32>
    %get3A = arith.constant 0 : index
    %get3A_4 = arith.constant 0 : index
    %get3A_5 = vector.load %arg6[%get3A, %get3A_4] : memref<16x40960xf32, #tpu.memory_space<vmem>>, vector<16x40960xf32>
    %sub3A = arith.constant 1.000000e+00 : f32
    %sub3A_6 = vector.broadcast %sub3A : f32 to vector<16x40960xf32>
    %sub3A_7 = arith.subf %sub3A_6, %get3A_5 : vector<16x40960xf32>
    %get3A_8 = arith.constant 0 : index
    %get3A_9 = arith.constant 0 : index
    %get3A_10 = vector.load %arg7[%get3A_8, %get3A_9] : memref<16x40960xf32, #tpu.memory_space<vmem>>, vector<16x40960xf32>
    %sub3A_11 = arith.subf %sub3A_7, %get3A_10 : vector<16x40960xf32>
    %abs3A = math.absf %sub3A_11 : vector<16x40960xf32>
    %jit3A = arith.constant 0.000000e+00 : f32
    %broadcast_in_dim3A = vector.broadcast %jit3A : f32 to vector<16x40960xf32>
    %select_n3A = arith.select %lt3A_3, %abs3A, %broadcast_in_dim3A : vector<16x40960xi1>, vector<16x40960xf32>
    %reduce_sum3A = vector.shape_cast %select_n3A : vector<16x40960xf32> to vector<1x16x40960xf32>
    %reduce_sum3A_12 = arith.constant dense<0.000000e+00> : vector<1xf32>
    %reduce_sum3A_13 = vector.multi_reduction <add>, %reduce_sum3A, %reduce_sum3A_12 [1, 2] : vector<1x16x40960xf32> to vector<1xf32>
    %reduce_sum3A_14 = vector.shape_cast %reduce_sum3A_13 : vector<1xf32> to vector<1x1x1xf32>
    %reduce_sum3A_15 = vector.extract %reduce_sum3A_14[0, 0, 0] : f32 from vector<1x1x1xf32>
    %eq3A = arith.constant 0 : i32
    %eq3A_16 = arith.cmpi eq, %arg0, %eq3A : i32
    %convert_element_type3A = arith.extui %eq3A_16 : i1 to i32
    %cond3A = arith.constant 0 : i32
    %cond3A_17 = arith.cmpi ne, %convert_element_type3A, %cond3A : i32
    scf.if %cond3A_17 {
      %iota3A_26 = tpu.iota {dimensions = array<i32: 0>} : vector<128x8xi32>
      %jit3A_27 = arith.constant 16 : i32
      %div3A = vector.broadcast %jit3A_27 : i32 to vector<128x8xi32>
      %div3A_28 = arith.divsi %iota3A_26, %div3A : vector<128x8xi32>
      %sign3A = arith.constant 0 : i32
      %sign3A_29 = vector.broadcast %sign3A : i32 to vector<128x8xi32>
      %sign3A_30 = arith.cmpi sgt, %iota3A_26, %sign3A_29 : vector<128x8xi32>
      %sign3A_31 = arith.extui %sign3A_30 : vector<128x8xi1> to vector<128x8xi32>
      %sign3A_32 = arith.constant 0 : i32
      %sign3A_33 = vector.broadcast %sign3A_32 : i32 to vector<128x8xi32>
      %sign3A_34 = arith.cmpi slt, %iota3A_26, %sign3A_33 : vector<128x8xi32>
      %sign3A_35 = arith.extui %sign3A_34 : vector<128x8xi1> to vector<128x8xi32>
      %sign3A_36 = arith.subi %sign3A_31, %sign3A_35 : vector<128x8xi32>
      %sign3A_37 = arith.constant 0 : i32
      %sign3A_38 = arith.cmpi sgt, %jit3A_27, %sign3A_37 : i32
      %sign3A_39 = arith.extui %sign3A_38 : i1 to i32
      %sign3A_40 = arith.constant 0 : i32
      %sign3A_41 = arith.cmpi slt, %jit3A_27, %sign3A_40 : i32
      %sign3A_42 = arith.extui %sign3A_41 : i1 to i32
      %sign3A_43 = arith.subi %sign3A_39, %sign3A_42 : i32
      %ne3A = vector.broadcast %sign3A_43 : i32 to vector<128x8xi32>
      %ne3A_44 = arith.cmpi ne, %sign3A_36, %ne3A : vector<128x8xi32>
      %rem3A = vector.broadcast %jit3A_27 : i32 to vector<128x8xi32>
      %rem3A_45 = arith.remsi %iota3A_26, %rem3A : vector<128x8xi32>
      %ne3A_46 = arith.constant 0 : i32
      %ne3A_47 = vector.broadcast %ne3A_46 : i32 to vector<128x8xi32>
      %ne3A_48 = arith.cmpi ne, %rem3A_45, %ne3A_47 : vector<128x8xi32>
      %and3A = arith.andi %ne3A_44, %ne3A_48 : vector<128x8xi1>
      %sub3A_49 = arith.constant 1 : i32
      %sub3A_50 = vector.broadcast %sub3A_49 : i32 to vector<128x8xi32>
      %sub3A_51 = arith.subi %div3A_28, %sub3A_50 : vector<128x8xi32>
      %select_n3A_52 = arith.select %and3A, %sub3A_51, %div3A_28 : vector<128x8xi1>, vector<128x8xi32>
      %iota3A_53 = tpu.iota {dimensions = array<i32: 1>} : vector<128x8xi32>
      %eq3A_54 = arith.cmpi eq, %select_n3A_52, %iota3A_53 : vector<128x8xi32>
      %convert_element_type3A_55 = arith.extui %eq3A_54 : vector<128x8xi1> to vector<128x8xi32>
      %convert_element_type3A_56 = arith.sitofp %convert_element_type3A_55 : vector<128x8xi32> to vector<128x8xf32>
      %get3A_57 = arith.constant 0 : index
      %get3A_58 = arith.constant 0 : index
      %get3A_59 = vector.load %arg1[%get3A_57, %get3A_58] : memref<2048x128xf32, #tpu.memory_space<vmem>>, vector<2048x128xf32>
      %get3A_60 = arith.constant 0 : index
      %get3A_61 = arith.constant 0 : index
      %get3A_62 = vector.load %arg2[%get3A_60, %get3A_61] : memref<2048x128xf32, #tpu.memory_space<vmem>>, vector<2048x128xf32>
      %add3A_63 = arith.addf %get3A_59, %get3A_62 : vector<2048x128xf32>
      %get3A_64 = arith.constant 0 : index
      %get3A_65 = arith.constant 0 : index
      %get3A_66 = vector.load %arg3[%get3A_64, %get3A_65] : memref<2048x128xf32, #tpu.memory_space<vmem>>, vector<2048x128xf32>
      %get3A_67 = arith.constant 0 : index
      %get3A_68 = arith.constant 0 : index
      %get3A_69 = vector.load %arg4[%get3A_67, %get3A_68] : memref<2048x128xf32, #tpu.memory_space<vmem>>, vector<2048x128xf32>
      %add3A_70 = arith.addf %get3A_66, %get3A_69 : vector<2048x128xf32>
      %max3A = arith.maximumf %get3A_59, %get3A_66 : vector<2048x128xf32>
      %min3A = arith.minimumf %add3A_63, %add3A_70 : vector<2048x128xf32>
      %min3A_71 = arith.minimumf %get3A_59, %get3A_66 : vector<2048x128xf32>
      %max3A_72 = arith.maximumf %add3A_63, %add3A_70 : vector<2048x128xf32>
      %sub3A_73 = arith.subf %min3A, %max3A : vector<2048x128xf32>
      %jit3A_74 = arith.constant 9.99999993E-9 : f32
      %max3A_75 = vector.broadcast %jit3A_74 : f32 to vector<2048x128xf32>
      %max3A_76 = arith.maximumf %max3A_75, %sub3A_73 : vector<2048x128xf32>
      %log3A = math.log %max3A_76 : vector<2048x128xf32>
      %dot_general3A = arith.constant dense<0.000000e+00> : vector<2048x8xf32>
      %dot_general3A_77 = tpu.matmul %log3A, %convert_element_type3A_56, %dot_general3A {dimension_numbers = #tpu.dot_dimension_numbers<[1], [0], [0], [1], [0, 0, 1, 1], [], []>, precision = #tpu.contract_precision<fp32>, transpose_lhs_hint = false} : vector<2048x128xf32>, vector<128x8xf32>, vector<2048x8xf32> -> vector<2048x8xf32>
      %sub3A_78 = arith.subf %max3A_72, %min3A_71 : vector<2048x128xf32>
      %jit3A_79 = arith.constant 9.99999993E-9 : f32
      %max3A_80 = vector.broadcast %jit3A_79 : f32 to vector<2048x128xf32>
      %max3A_81 = arith.maximumf %max3A_80, %sub3A_78 : vector<2048x128xf32>
      %log3A_82 = math.log %max3A_81 : vector<2048x128xf32>
      %dot_general3A_83 = arith.constant dense<0.000000e+00> : vector<2048x8xf32>
      %dot_general3A_84 = tpu.matmul %log3A_82, %convert_element_type3A_56, %dot_general3A_83 {dimension_numbers = #tpu.dot_dimension_numbers<[1], [0], [0], [1], [0, 0, 1, 1], [], []>, precision = #tpu.contract_precision<fp32>, transpose_lhs_hint = false} : vector<2048x128xf32>, vector<128x8xf32>, vector<2048x8xf32> -> vector<2048x8xf32>
      %sub3A_85 = arith.subf %add3A_63, %get3A_59 : vector<2048x128xf32>
      %jit3A_86 = arith.constant 9.99999993E-9 : f32
      %max3A_87 = vector.broadcast %jit3A_86 : f32 to vector<2048x128xf32>
      %max3A_88 = arith.maximumf %max3A_87, %sub3A_85 : vector<2048x128xf32>
      %log3A_89 = math.log %max3A_88 : vector<2048x128xf32>
      %dot_general3A_90 = arith.constant dense<0.000000e+00> : vector<2048x8xf32>
      %dot_general3A_91 = tpu.matmul %log3A_89, %convert_element_type3A_56, %dot_general3A_90 {dimension_numbers = #tpu.dot_dimension_numbers<[1], [0], [0], [1], [0, 0, 1, 1], [], []>, precision = #tpu.contract_precision<fp32>, transpose_lhs_hint = false} : vector<2048x128xf32>, vector<128x8xf32>, vector<2048x8xf32> -> vector<2048x8xf32>
      %sub3A_92 = arith.subf %add3A_70, %get3A_66 : vector<2048x128xf32>
      %jit3A_93 = arith.constant 9.99999993E-9 : f32
      %max3A_94 = vector.broadcast %jit3A_93 : f32 to vector<2048x128xf32>
      %max3A_95 = arith.maximumf %max3A_94, %sub3A_92 : vector<2048x128xf32>
      %log3A_96 = math.log %max3A_95 : vector<2048x128xf32>
      %dot_general3A_97 = arith.constant dense<0.000000e+00> : vector<2048x8xf32>
      %dot_general3A_98 = tpu.matmul %log3A_96, %convert_element_type3A_56, %dot_general3A_97 {dimension_numbers = #tpu.dot_dimension_numbers<[1], [0], [0], [1], [0, 0, 1, 1], [], []>, precision = #tpu.contract_precision<fp32>, transpose_lhs_hint = false} : vector<2048x128xf32>, vector<128x8xf32>, vector<2048x8xf32> -> vector<2048x8xf32>
      %le3A = arith.cmpf ole, %min3A, %max3A : vector<2048x128xf32>
      %convert_element_type3A_99 = arith.extui %le3A : vector<2048x128xi1> to vector<2048x128xi32>
      %convert_element_type3A_100 = arith.sitofp %convert_element_type3A_99 : vector<2048x128xi32> to vector<2048x128xf32>
      %dot_general3A_101 = arith.constant dense<0.000000e+00> : vector<2048x8xf32>
      %dot_general3A_102 = tpu.matmul %convert_element_type3A_100, %convert_element_type3A_56, %dot_general3A_101 {dimension_numbers = #tpu.dot_dimension_numbers<[1], [0], [0], [1], [0, 0, 1, 1], [], []>, precision = #tpu.contract_precision<fp32>, transpose_lhs_hint = false} : vector<2048x128xf32>, vector<128x8xf32>, vector<2048x8xf32> -> vector<2048x8xf32>
      %gt3A = arith.constant 0.000000e+00 : f32
      %gt3A_103 = vector.broadcast %gt3A : f32 to vector<2048x8xf32>
      %gt3A_104 = arith.cmpf ogt, %dot_general3A_102, %gt3A_103 : vector<2048x8xf32>
      %sub3A_105 = arith.subf %dot_general3A_77, %dot_general3A_98 : vector<2048x8xf32>
      %neg3A = arith.constant 0.000000e+00 : f32
      %neg3A_106 = vector.broadcast %neg3A : f32 to vector<2048x8xf32>
      %neg3A_107 = arith.subf %neg3A_106, %sub3A_105 : vector<2048x8xf32>
      %exp3A = math.exp %dot_general3A_84 : vector<2048x8xf32>
      %exp3A_108 = math.exp %dot_general3A_91 : vector<2048x8xf32>
      %sub3A_109 = arith.subf %exp3A, %exp3A_108 : vector<2048x8xf32>
      %exp3A_110 = math.exp %dot_general3A_98 : vector<2048x8xf32>
      %sub3A_111 = arith.subf %sub3A_109, %exp3A_110 : vector<2048x8xf32>
      %jit3A_112 = arith.constant 9.99999993E-9 : f32
      %max3A_113 = vector.broadcast %jit3A_112 : f32 to vector<2048x8xf32>
      %max3A_114 = arith.maximumf %max3A_113, %sub3A_111 : vector<2048x8xf32>
      %log3A_115 = math.log %max3A_114 : vector<2048x8xf32>
      %sub3A_116 = arith.subf %log3A_115, %dot_general3A_98 : vector<2048x8xf32>
      %neg3A_117 = arith.constant 0.000000e+00 : f32
      %neg3A_118 = vector.broadcast %neg3A_117 : f32 to vector<2048x8xf32>
      %neg3A_119 = arith.subf %neg3A_118, %sub3A_116 : vector<2048x8xf32>
      %select_n3A_120 = arith.select %gt3A_104, %neg3A_119, %neg3A_107 : vector<2048x8xi1>, vector<2048x8xf32>
      %exp3A_121 = math.exp %sub3A_105 : vector<2048x8xf32>
      %sub3A_122 = arith.constant 1.000000e+00 : f32
      %sub3A_123 = vector.broadcast %sub3A_122 : f32 to vector<2048x8xf32>
      %sub3A_124 = arith.subf %sub3A_123, %exp3A_121 : vector<2048x8xf32>
      %jit3A_125 = arith.constant 9.99999993E-9 : f32
      %max3A_126 = vector.broadcast %jit3A_125 : f32 to vector<2048x8xf32>
      %max3A_127 = arith.maximumf %max3A_126, %sub3A_124 : vector<2048x8xf32>
      %log3A_128 = math.log %max3A_127 : vector<2048x8xf32>
      %neg3A_129 = arith.constant 0.000000e+00 : f32
      %neg3A_130 = vector.broadcast %neg3A_129 : f32 to vector<2048x8xf32>
      %neg3A_131 = arith.subf %neg3A_130, %log3A_128 : vector<2048x8xf32>
      %jit3A_132 = arith.constant 0.000000e+00 : f32
      %broadcast_in_dim3A_133 = vector.broadcast %jit3A_132 : f32 to vector<2048x8xf32>
      %select_n3A_134 = arith.select %gt3A_104, %broadcast_in_dim3A_133, %neg3A_131 : vector<2048x8xi1>, vector<2048x8xf32>
      %get3A_135 = arith.constant 0 : index
      %get3A_136 = arith.constant 0 : index
      %get3A_137 = vector.load %arg5[%get3A_135, %get3A_136] : memref<2048x8xf32, #tpu.memory_space<vmem>>, vector<2048x8xf32>
      %mul3A_138 = arith.mulf %select_n3A_120, %get3A_137 : vector<2048x8xf32>
      %reduce_sum3A_139 = vector.shape_cast %mul3A_138 : vector<2048x8xf32> to vector<1x2048x8xf32>
      %reduce_sum3A_140 = arith.constant dense<0.000000e+00> : vector<1xf32>
      %reduce_sum3A_141 = vector.multi_reduction <add>, %reduce_sum3A_139, %reduce_sum3A_140 [1, 2] : vector<1x2048x8xf32> to vector<1xf32>
      %reduce_sum3A_142 = vector.shape_cast %reduce_sum3A_141 : vector<1xf32> to vector<1x1x1xf32>
      %reduce_sum3A_143 = vector.extract %reduce_sum3A_142[0, 0, 0] : f32 from vector<1x1x1xf32>
      %sub3A_144 = arith.constant 1.000000e+00 : f32
      %sub3A_145 = vector.broadcast %sub3A_144 : f32 to vector<2048x8xf32>
      %sub3A_146 = arith.subf %sub3A_145, %get3A_137 : vector<2048x8xf32>
      %mul3A_147 = arith.mulf %select_n3A_134, %sub3A_146 : vector<2048x8xf32>
      %reduce_sum3A_148 = vector.shape_cast %mul3A_147 : vector<2048x8xf32> to vector<1x2048x8xf32>
      %reduce_sum3A_149 = arith.constant dense<0.000000e+00> : vector<1xf32>
      %reduce_sum3A_150 = vector.multi_reduction <add>, %reduce_sum3A_148, %reduce_sum3A_149 [1, 2] : vector<1x2048x8xf32> to vector<1xf32>
      %reduce_sum3A_151 = vector.shape_cast %reduce_sum3A_150 : vector<1xf32> to vector<1x1x1xf32>
      %reduce_sum3A_152 = vector.extract %reduce_sum3A_151[0, 0, 0] : f32 from vector<1x1x1xf32>
      %add3A_153 = arith.addf %reduce_sum3A_143, %reduce_sum3A_152 : f32
      %div3A_154 = arith.constant 8.192000e+03 : f32
      %div3A_155 = arith.divf %add3A_153, %div3A_154 : f32
      %swap3A_156 = arith.constant 0 : index
      %swap3A_157 = arith.constant 0 : index
      %swap3A_158 = memref.load %arg8[%swap3A_156, %swap3A_157] : memref<1x1xf32, #tpu.memory_space<smem>>
      memref.store %div3A_155, %arg8[%swap3A_156, %swap3A_157] : memref<1x1xf32, #tpu.memory_space<smem>>
    } else {
    }
    %get3A_18 = arith.constant 0 : index
    %get3A_19 = arith.constant 0 : index
    %get3A_20 = memref.load %arg8[%get3A_18, %get3A_19] : memref<1x1xf32, #tpu.memory_space<smem>>
    %mul3A_21 = arith.constant 1.000000e-10 : f32
    %mul3A_22 = arith.mulf %reduce_sum3A_15, %mul3A_21 : f32
    %add3A_23 = arith.addf %get3A_20, %mul3A_22 : f32
    %swap3A = arith.constant 0 : index
    %swap3A_24 = arith.constant 0 : index
    %swap3A_25 = memref.load %arg8[%swap3A, %swap3A_24] : memref<1x1xf32, #tpu.memory_space<smem>>
    memref.store %add3A_23, %arg8[%swap3A, %swap3A_24] : memref<1x1xf32, #tpu.memory_space<smem>>
    return
  }
  func.func @transform_0(%arg0: i32) -> (i32, i32) {
    %c0_i32 = arith.constant 0 : i32
    %c0_i32_0 = arith.constant 0 : i32
    %c0_i32_1 = arith.constant 0 : i32
    return %c0_i32, %c0_i32_0 : i32, i32
  }
  func.func @transform_1(%arg0: i32) -> (i32, i32) {
    %c0_i32 = arith.constant 0 : i32
    %c0_i32_0 = arith.constant 0 : i32
    %c0_i32_1 = arith.constant 0 : i32
    return %c0_i32, %c0_i32_0 : i32, i32
  }
  func.func @transform_2(%arg0: i32) -> (i32, i32) {
    %c0_i32 = arith.constant 0 : i32
    %c0_i32_0 = arith.constant 0 : i32
    %c0_i32_1 = arith.constant 0 : i32
    return %c0_i32, %c0_i32_0 : i32, i32
  }
  func.func @transform_3(%arg0: i32) -> (i32, i32) {
    %c0_i32 = arith.constant 0 : i32
    %c0_i32_0 = arith.constant 0 : i32
    %c0_i32_1 = arith.constant 0 : i32
    return %c0_i32, %c0_i32_0 : i32, i32
  }
  func.func @transform_4(%arg0: i32) -> (i32, i32) {
    %c0_i32 = arith.constant 0 : i32
    %c0_i32_0 = arith.constant 0 : i32
    %c0_i32_1 = arith.constant 0 : i32
    return %c0_i32, %c0_i32_0 : i32, i32
  }
  func.func @transform_5(%arg0: i32) -> (i32, i32) {
    %c0_i32 = arith.constant 0 : i32
    %c0_i32_0 = arith.constant 0 : i32
    return %c0_i32, %arg0 : i32, i32
  }
  func.func @transform_6(%arg0: i32) -> (i32, i32) {
    %c0_i32 = arith.constant 0 : i32
    %c0_i32_0 = arith.constant 0 : i32
    return %c0_i32, %arg0 : i32, i32
  }
  func.func @transform_7(%arg0: i32) -> (i32, i32) {
    %c0_i32 = arith.constant 0 : i32
    %c0_i32_0 = arith.constant 0 : i32
    %c0_i32_1 = arith.constant 0 : i32
    return %c0_i32, %c0_i32_0 : i32, i32
  }
}

</mosaic_0001>

<sc_bundles>
// kernel: kernel.4.cloned.1.call-start
scs
__scs_entry_jumppad:
0x0: {  	(pc) =	sbr.rel $0x88, $3  }
0x1: {  	(tag) =	ssettag $0x0;
	lr =	simm.s32 $0x1  }
0x2: {  	[smem:$0x3F9C] =	sst lr;
	_ =	strace $0xD0000000  }
0x3: {  	_ = 	snop  }
0x4: {  	_ = 	snop  }
0x5: {  	_ = 	snop  }
0x6: {  	_ = 	snop  }
0x7: {  	_ = 	snop  }
__scs_overlays_trampoline_lowered:
0x8: {  	[smem:$0x3FAB] =	sst s0  }
0x9: {  	[smem:$0x3FAC] =	sst s1  }
0xa: {  	[smem:$0x3FAD] =	sst s2  }
0xb: {  	[smem:$0x3FAE] =	sst s3  }
0xc: {  	[smem:$0x3FAF] =	sst s4  }
0xd: {  	[smem:$0x3FB0] =	sst s5  }
0xe: {  	[smem:$0x3FB1] =	sst s6  }
0xf: {  	[smem:$0x3FB2] =	sst s7  }
0x10: {  	[smem:$0x3FB3] =	sst s8  }
0x11: {  	[smem:$0x3FB4] =	sst s9;
	s0 =	simm.s32 @!p0 $0x0  }
0x12: {  	s1 =	sld [smem:$0x3F9A];
	s0 =	simm.s32 @p0 $0x1  }
0x13: {  	[smem:$0x3FB5] =	sst s0;
	s0 =	simm.s32 @!p1 $0x0  }
0x14: {  	s2 =	sld [smem:$0x3F99];
	s0 =	simm.s32 @p1 $0x1  }
0x15: {  	[smem:$0x3FB6] =	sst s0;
	s0 =	simm.s32 @!p2 $0x0  }
0x16: {  	s3 =	sld [smem:$0x3FDB];
	s0 =	simm.s32 @p2 $0x1  }
0x17: {  	s4 =	simm.s32 $0x1BF5;
	[smem:$0x3FB8] =	sst s0  }
0x18: {  	s0 =	sld [smem:$0x3F9B];
	_ =	swait.ge [sflag:s4], $0x0  }
0x19: {  	s7 =	sld [smem:$0x3F9C]  }
0x1a: {  	s8 =	sadd.s32 $0xFFFFE003, lr  }
0x1b: {  	s9 =	sadd.s32 $0xFFFFFEF7, lr;
	s5 =	simm.s32 $0xFFFFFFFF;
	p2 =	slt.u32 s8, $0xFFFFF086  }
0x1c: {  	p1 =	slt.u32 s9, $0xF7A;
	s5 =	simm.s32 @!p2 $0x0  }
0x1d: {  	s5 =	simm.s32 @p1 $0x1;
	p0 =	seq.s32 s7, s2  }
0x1e: {  	s7 =	smul.u32 @!p0 $0xF7A, s2;
	p2 =	seq.s32 @!p0 s5, $0x0  }
0x1f: {  	s9 =	smul.u32 $0xF7A, s1;
	s8 =	simm.s32 @!p0 $0x1BF5;
	p2 =	por !p2, p0  }
0x20: {  	[sflag:s8] =	ssyncset.s32 @!p0 $0xFFFFF086;
	s6 =	sadd.s32 @!p0 s3, s7;
	s7 =	simm.s32 @!p0 $0x108  }
0x21: {  	s3 =	sadd.s32 s3, s9;
	s6 =	sadd.s32 @!p0 $0x88, s6;
	s7 =	simm.s32 @p2 $0x1082  }
0x22: {  	[simem:s7], [sflag:s8] =	dma.local @!p0 [hbm:s6], $0xF7A  }
0x23: {  	s9 =	sor.u32 $0xD0000000, s2;
	s6 =	simm.s32 $0x108;
	_ =	swait.ge @!p0 [sflag:s8], $0x0  }
0x24: {  	s3 =	sadd.s32 $0x88, s3;
	s6 =	simm.s32 @!p1 $0x1082;
	[sflag:s4] =	ssyncset.s32 $0xFFFFF086  }
0x25: {  	[simem:s6], [sflag:s4] =	dma.local [hbm:s3], $0xF7A  }
0x26: {  	[smem:$0x3F9C] =	sst s1;
	(tag) =	ssettag s2;
	_ =	strace s9  }
0x27: {  	s1 =	sld [smem:$0x3FAC]  }
0x28: {  	s2 =	sld [smem:$0x3FAD]  }
0x29: {  	s4 =	sld [smem:$0x3FAF]  }
0x2a: {  	p0 =	seq.s32 s5, $0x0;
	s5 =	sld [smem:$0x3FB0]  }
0x2b: {  	s6 =	sld [smem:$0x3FB1]  }
0x2c: {  	s7 =	sld [smem:$0x3FB2]  }
0x2d: {  	s3 =	simm.s32 $0x108;
	s8 =	sld [smem:$0x3FB3]  }
0x2e: {  	s3 =	simm.s32 @!p0 $0x1082;
	s9 =	sld [smem:$0x3FB4]  }
0x2f: {  	lr =	sadd.s32 s0, s3;
	s0 =	sld [smem:$0x3FAB]  }
0x30: {  	s3 =	sld [smem:$0x3FAE]  }
0x31: {  	[smem:$0x3FB7] =	sst s10  }
0x32: {  	s10 =	sld [smem:$0x3FB5];
	_ =	sdelay $0x3  }
0x33: {  	p0 =	seq.s32 s10, $0x1;
	s10 =	sld [smem:$0x3FB7];
	_ =	sdelay $0x3  }
0x34: {  	[smem:$0x3FB7] =	sst s10  }
0x35: {  	s10 =	sld [smem:$0x3FB6];
	_ =	sdelay $0x3  }
0x36: {  	p1 =	seq.s32 s10, $0x1;
	s10 =	sld [smem:$0x3FB7];
	_ =	sdelay $0x3  }
0x37: {  	[smem:$0x3FB7] =	sst s10  }
0x38: {  	s10 =	sld [smem:$0x3FB8]  }
0x39: {  	_ = 	snop;
	(pc) =	sbr.ind lr, $3  }
0x3a: {  	_ = 	snop  }
0x3b: {  	_ = 	snop  }
0x3c: {  	p2 =	seq.s32 s10, $0x1;
	s10 =	sld [smem:$0x3FB7]  }
0x3d: {  	_ =	shalt  }
0x3e: {  	_ =	shalt  }
0x3f: {  	_ =	shalt  }
0x40: {  	_ =	shalt  }
0x41: {  	_ =	shalt  }
0x42: {  	_ =	shalt  }
0x43: {  	_ =	shalt  }
0x44: {  	_ =	shalt  }
0x45: {  	_ =	shalt  }
0x46: {  	_ =	shalt  }
0x47: {  	_ =	shalt  }
0x48: {  	_ =	shalt  }
0x49: {  	_ =	shalt  }
0x4a: {  	_ =	shalt  }
0x4b: {  	_ =	shalt  }
0x4c: {  	_ =	shalt  }
0x4d: {  	_ =	shalt  }
0x4e: {  	_ =	shalt  }
0x4f: {  	_ =	shalt  }
0x50: {  	_ =	shalt  }
0x51: {  	_ =	shalt  }
0x52: {  	_ =	shalt  }
0x53: {  	_ =	shalt  }
0x54: {  	_ =	shalt  }
0x55: {  	_ =	shalt  }
0x56: {  	_ =	shalt  }
0x57: {  	_ =	shalt  }
0x58: {  	_ =	shalt  }
0x59: {  	_ =	shalt  }
0x5a: {  	_ =	shalt  }
0x5b: {  	_ =	shalt  }
0x5c: {  	_ =	shalt  }
0x5d: {  	_ =	shalt  }
0x5e: {  	_ =	shalt  }
0x5f: {  	_ =	shalt  }
0x60: {  	_ =	shalt  }
0x61: {  	_ =	shalt  }
0x62: {  	_ =	shalt  }
0x63: {  	_ =	shalt  }
0x64: {  	_ =	shalt  }
0x65: {  	_ =	shalt  }
0x66: {  	_ =	shalt  }
0x67: {  	_ =	shalt  }
0x68: {  	_ =	shalt  }
0x69: {  	_ =	shalt  }
0x6a: {  	_ =	shalt  }
0x6b: {  	_ =	shalt  }
0x6c: {  	_ =	shalt  }
0x6d: {  	_ =	shalt  }
0x6e: {  	_ =	shalt  }
0x6f: {  	_ =	shalt  }
0x70: {  	_ =	shalt  }
0x71: {  	_ =	shalt  }
0x72: {  	_ =	shalt  }
0x73: {  	_ =	shalt  }
0x74: {  	_ =	shalt  }
0x75: {  	_ =	shalt  }
0x76: {  	_ =	shalt  }
0x77: {  	_ =	shalt  }
0x78: {  	_ =	shalt  }
0x79: {  	_ =	shalt  }
0x7a: {  	_ =	shalt  }
0x7b: {  	_ =	shalt  }
0x7c: {  	_ =	shalt  }
0x7d: {  	_ =	shalt  }
0x7e: {  	_ =	shalt  }
0x7f: {  	_ =	shalt  }
0x80: {  	_ =	shalt  }
0x81: {  	_ =	shalt  }
0x82: {  	_ =	shalt  }
0x83: {  	_ =	shalt  }
0x84: {  	_ =	shalt  }
0x85: {  	_ =	shalt  }
0x86: {  	_ =	shalt  }
0x87: {  	_ =	shalt  }
.Lfunc_end0:
.L_simem_size_0:
called_computation_lowered:
.L_overlay_start_0:
0x88: {  	s2 =	sld [smem:$0x3FD9]  }
0x89: {  	s3 =	sld [smem:$0x3FFE];
	_ =	sdelay $0x1  }
0x8a: {  	s1 =	srdreg.scid  }
0x8b: {  	s0 =	sand.u32 $0x1, s1  }
0x8c: {  	s17 =	sshll.u32 s0, $0xA;
	s2 =	sadd.s32 s3, s2  }
0x8d: {  	s2 =	sadd.s32 s2, s17  }
0x8e: {  	[smem:$0x3FC3] =	sst s2  }
0x8f: {  	_ = 	snop  }
0x90: {  	s2 =	sld [smem:$0x3FC9]  }
0x91: {  	s18 =	sld [smem:$0x3FC8];
	(tm) =	ssettm $0x1  }
0x92: {  	s4 =	sld [smem:$0x3FFB];
	_ =	sdelay $0x3  }
0x93: {  	_ =	strace s4  }
0x94: {  	s4 =	sld [smem:$0x3FFC];
	_ =	sdelay $0x3  }
0x95: {  	_ =	strace s4  }
0x96: {  	s4 =	sld [smem:$0x3FFD];
	_ =	sdelay $0x3  }
0x97: {  	_ =	strace s4  }
0x98: {  	_ =	strace $0x8FFFFFFF  }
0x99: {  	s19 =	sld [smem:$0x3FDB];
	_ =	sdelay $0x1  }
0x9a: {  	s5 =	simm.s32 $_scs_section_size  }
0x9b: {  	s6 =	simm.s32 $_size__tile_overlayer_lowered;
	s7 =	simm.s32 $_tile_overlayer_lowered  }
0x9c: {  	s22 =	simm.s32 $0x1BFF;
	s21 =	sshll.u32 s7, $0x1;
	s4 =	sadd.s32 s5, s19  }
0x9d: {  	s8 =	simm.s32 $0x0;
	s20 =	sshll.u32 s6, $0x1;
	s6 =	sadd.s32 s21, s4  }
0x9e: {  	[timem:s8], [sflag:s22] =	dma.local [hbm:s6], s20  }
0x9f: {  	_ =	swait.ge [sflag:s22], s20  }
0xa0: {  	s5 =	ssub.s32 $0x0, s20;
	[sflag:s22] =	ssyncset.done $0x0  }
0xa1: {  	[sflag:s22] =	ssyncadd.s32 s5;
	_ =	sdelay $0x1  }
0xa2: {  	s23 =	simm.s32 $0x1B8B  }
0xa3: {  	_ =	swait.ge [sflag:s23], $0x1  }
0xa4: {  	[sflag:s23] =	ssyncset.done $0x0  }
0xa5: {  	s25 =	simm.s32 $0x1B8E;
	s24 =	sld [smem:$0x3FFE];
	[sflag:s23] =	ssyncadd.s32 $0xFFFFFFFF  }
0xa6: {  	s26 =	simm.s32 $execute0_lowered;
	[smem:$0x3FD2] =	sst s25  }
0xa7: {  	s6 =	sshll.u32 s26, $0x1;
	_ =	strace $0x80000046;
	[dreg:$0x1] =	wrdreg $0xFFFFFFFF  }
0xa8: {  	s28 =	simm.s32 $_size_execute0_lowered;
	s4 =	sadd.s32 s4, s6;
	[dreg:$0x0] =	wrdreg $0x0  }
0xa9: {  	s6 =	sshll.u32 s28, $0x1;
	[dreg:$0x2] =	wrdreg s4  }
0xaa: {  	[dreg:$0x3] =	wrdreg s6  }
0xab: {  	[dreg:$0x4] =	wrdreg $0xC0  }
0xac: {  	_ =	task [dreg:s8], $0x5FFFF  }
0xad: {  	[dreg:$0x1] =	wrdreg $0xFFFFFFFF  }
0xae: {  	[dreg:$0x0] =	wrdreg $0x60  }
0xaf: {  	[dreg:$0x2] =	wrdreg s24  }
0xb0: {  	[dreg:$0x3] =	wrdreg s2  }
0xb1: {  	[dreg:$0x4] =	wrdreg s18  }
0xb2: {  	[dreg:$0x5] =	wrdreg $0x9  }
0xb3: {  	_ =	task.clear_ibuf [dreg:s8], $0x6FFFF;
	_ =	strace $0x90000046  }
0xb4: {  	s29 =	simm.s32 $0x9;
	_ =	strace $0x80000048  }
0xb5: {  	_ =	swait.ge [sflag:s29], $0x1  }
0xb6: {  	[sflag:s29] =	ssyncadd.s32 $0xFFFFFFFF  }
0xb7: {  	_ =	strace $0x90000048  }
0xb8: {  	_ =	sfence  }
0xb9: {  	s30 =	sld [smem:$0x0];
	_ =	sdelay $0x2  }
0xba: {  	s31 =	sshll.u32 s1, $0xD;
	s1 =	sshrl.u32 s1, $0x2  }
0xbb: {  	s3 =	sand.u32 $0x4000, s31;
	s1 =	sadd.s32 s1, s30  }
0xbc: {  	s0 =	sor.u32 s3, s0;
	s1 =	sshll.u32 s1, $0x11  }
0xbd: {  	s0 =	sor.u32 s1, s0  }
0xbe: {  	s0 =	sadd.s32 $0x8F2B, s0  }
0xbf: {  	[sflag:s0] =	ssyncadd.remote.s32 $0x1  }
0xc0: {  	_ =	sfence.sel $0xFFFF  }
0xc1: {  	[dreg:$0x0] =	wrdreg $0xFFFFFFFF;
	(pc) =	sbr.abs _section_cstart, $3  }
0xc2: {  	[dreg:$0x1] =	wrdreg $0xFFFFFFFF  }
0xc3: {  	_ =	task.clear_ibuf [dreg:s8], $0x2FFFF;
	_ =	strace $0x9FFFFFFF  }
0xc4: {  	(tm) =	ssettm $0x7FFFFFFF  }
0xc5: {  	_ =	shalt  }
tec
execute0_lowered:
.L_overlay_start_1:
0x0: {  	(tag) =	ssettag $0x1  }
0x1: {  	s14 =	rddreg [dreg:$0x0];
	s1 =	srdreg.scid  }
0x2: {  	s3 =	rddreg [dreg:$0x1];
	s0 =	stileid.u32;
	s16 =	sand.u32 $0x1, s1  }
0x3: {  	s5 =	rddreg [dreg:$0x2];
	s4 =	sshll.u32 s0, $0xA;
	s6 =	sshll.u32 s16, $0x9  }
0x4: {  	s2 =	simm.s32 $0x0;
	s1 =	rddreg [dreg:$0x3];
	s15 =	sor.u32 s6, s4  }
0x5: {  	[smem:$0x7FF] =	sst s2;
	s6 =	sshrl.u32 s15, $0x3  }
0x6: {  	_ =	strace $0x80000047;
	s4 =	sadd.s32 s3, s6;
	s3 =	simm.s32 $0x2  }
0x7: {  	[tilespmem:s2], [sflag:$0x2] =	stream.linear.gather [hbm4b:s4+s2], $0x200, $0x38;
	[tilespmem:$0x8400] =	vst v63  }
0x8: {  	_ =	swait.ge [sflag:s3], $0x200  }
0x9: {  	[sflag:s3] =	ssyncset.done $0x0  }
0xa: {  	s5 =	sadd.s32 s5, s6;
	s6 =	simm.s32 $0x200;
	[sflag:s3] =	ssyncadd.s32 $0xFFFFFE00  }
0xb: {  	[tilespmem:s6], [sflag:$0x2] =	stream.linear.gather [hbm4b:s5+s2], $0x200, $0x38;
	[tilespmem:$0x8400] =	vst v63  }
0xc: {  	_ =	swait.ge [sflag:s3], $0x200  }
0xd: {  	[sflag:s3] =	ssyncset.done $0x0  }
0xe: {  	s8 =	simm.s32 $0x400;
	s7 =	sadd.s32 $0x112BC00, s14;
	[sflag:s3] =	ssyncadd.s32 $0xFFFFFE00  }
0xf: {  	[tilespmem:s8], [sflag:$0x1] =	stream.indirect.gather [hbm4b:s7+s6], $0x10, s2, s6, $0xb8;
	[tilespmem:$0x8400] =	vst v63  }
0x10: {  	s10 =	simm.s32 $0x2400;
	s9 =	sadd.s32 $0xF43600, s14  }
0x11: {  	[tilespmem:s10], [sflag:$0x1] =	stream.indirect.gather [hbm4b:s9+s6], $0x10, s2, s6, $0xb8;
	[tilespmem:$0x8400] =	vst v63  }
0x12: {  	s11 =	simm.s32 $0x4400  }
0x13: {  	[tilespmem:s11], [sflag:$0x1] =	stream.indirect.gather [hbm4b:s7+s6], $0x10, s6, s6, $0xb8;
	[tilespmem:$0x8400] =	vst v63  }
0x14: {  	s12 =	simm.s32 $0x6400;
	s13 =	simm.s32 $0x1  }
0x15: {  	[tilespmem:s12], [sflag:$0x1] =	stream.indirect.gather [hbm4b:s9+s6], $0x10, s6, s6, $0xb8;
	[tilespmem:$0x8400] =	vst v63  }
0x16: {  	_ =	swait.ge [sflag:s13], $0x2000  }
0x17: {  	[sflag:s13] =	ssyncset.done $0x0  }
0x18: {  	[sflag:s13] =	ssyncadd.s32 $0xFFFFE000  }
0x19: {  	_ =	swait.ge [sflag:s13], $0x2000  }
0x1a: {  	[sflag:s13] =	ssyncset.done $0x0  }
0x1b: {  	[sflag:s13] =	ssyncadd.s32 $0xFFFFE000  }
0x1c: {  	_ =	swait.ge [sflag:s13], $0x2000  }
0x1d: {  	[sflag:s13] =	ssyncset.done $0x0  }
0x1e: {  	[sflag:s13] =	ssyncadd.s32 $0xFFFFE000  }
0x1f: {  	s15 =	sshll.u32 s15, $0x1;
	_ =	swait.ge [sflag:s13], $0x2000  }
0x20: {  	s17 =	sadd.s32 s15, s14;
	[sflag:s13] =	ssyncset.done $0x0  }
0x21: {  	s14 =	sadd.s32 $0x1200, s17;
	[sflag:s13] =	ssyncadd.s32 $0xFFFFE000  }
0x22: {  	[hbm4b:s14+s2] =	stream.linear.scatter [tilespmem:s8], [sflag:$0x2], $0x2000, $0x38;
	[tilespmem:$0x8400] =	vst v63  }
0x23: {  	_ =	swait.ge [sflag:s3], $0x2000  }
0x24: {  	[sflag:s3] =	ssyncset.done $0x0  }
0x25: {  	s18 =	ssub.s32 $0x2, s16;
	s15 =	sadd.s32 $0x9200, s17;
	[sflag:s3] =	ssyncadd.s32 $0xFFFFE000  }
0x26: {  	[hbm4b:s15+s2] =	stream.linear.scatter [tilespmem:s10], [sflag:$0x2], $0x2000, $0x38;
	[tilespmem:$0x8400] =	vst v63  }
0x27: {  	s19 =	sshrl.u32 s18, $0x1;
	_ =	swait.ge [sflag:s3], $0x2000  }
0x28: {  	s18 =	ssub.s32 s18, s19;
	[sflag:s3] =	ssyncset.done $0x0  }
0x29: {  	s18 =	smax.u32 s18, $0x1;
	s16 =	sadd.s32 $0x11200, s17;
	[sflag:s3] =	ssyncadd.s32 $0xFFFFE000  }
0x2a: {  	[hbm4b:s16+s2] =	stream.linear.scatter [tilespmem:s11], [sflag:$0x2], $0x2000, $0x38;
	[tilespmem:$0x8400] =	vst v63  }
0x2b: {  	p0 =	sne.s32 s18, $0x1;
	_ =	swait.ge [sflag:s3], $0x2000  }
.Ltmp0:
0x2c: {  	[sflag:s3] =	ssyncset.done $0x0;
	(pc) =	sbr.rel @!p0 .LBB2_2-.Ltmp0, $4  }
0x2d: {  	s17 =	sadd.s32 $0x19200, s17;
	[sflag:s3] =	ssyncadd.s32 $0xFFFFE000  }
0x2e: {  	[hbm4b:s17+s2] =	stream.linear.scatter [tilespmem:s12], [sflag:$0x2], $0x2000, $0x38;
	[tilespmem:$0x8400] =	vst v63  }
0x2f: {  	_ =	swait.ge [sflag:s3], $0x2000  }
0x30: {  	s18 =	sadd.s32 $0xFFFFFFFF, s18;
	[sflag:s3] =	ssyncset.done $0x0  }
.LBB2_1:
0x31: {  	p0 =	sne.s32 s18, $0x1;
	s18 =	sadd.s32 $0xFFFFFFFF, s18;
	[sflag:s3] =	ssyncadd.s32 $0xFFFFE000  }
0x32: {  	[tilespmem:s2], [sflag:$0x2] =	stream.linear.gather [hbm4b:s4+s2], $0x200, $0x38;
	[tilespmem:$0x8400] =	vst v63  }
0x33: {  	_ =	swait.ge [sflag:s3], $0x200  }
0x34: {  	[sflag:s3] =	ssyncset.done $0x0  }
0x35: {  	[sflag:s3] =	ssyncadd.s32 $0xFFFFFE00  }
0x36: {  	[tilespmem:s6], [sflag:$0x2] =	stream.linear.gather [hbm4b:s5+s2], $0x200, $0x38;
	[tilespmem:$0x8400] =	vst v63  }
0x37: {  	_ =	swait.ge [sflag:s3], $0x200  }
0x38: {  	[sflag:s3] =	ssyncset.done $0x0  }
0x39: {  	[sflag:s3] =	ssyncadd.s32 $0xFFFFFE00  }
0x3a: {  	[tilespmem:s8], [sflag:$0x1] =	stream.indirect.gather [hbm4b:s7+s6], $0x10, s2, s6, $0xb8;
	[tilespmem:$0x8400] =	vst v63  }
0x3b: {  	_ = 	snop  }
0x3c: {  	[tilespmem:s10], [sflag:$0x1] =	stream.indirect.gather [hbm4b:s9+s6], $0x10, s2, s6, $0xb8;
	[tilespmem:$0x8400] =	vst v63  }
0x3d: {  	_ = 	snop  }
0x3e: {  	[tilespmem:s11], [sflag:$0x1] =	stream.indirect.gather [hbm4b:s7+s6], $0x10, s6, s6, $0xb8;
	[tilespmem:$0x8400] =	vst v63  }
0x3f: {  	_ = 	snop  }
0x40: {  	[tilespmem:s12], [sflag:$0x1] =	stream.indirect.gather [hbm4b:s9+s6], $0x10, s6, s6, $0xb8;
	[tilespmem:$0x8400] =	vst v63  }
0x41: {  	_ =	swait.ge [sflag:s13], $0x2000  }
0x42: {  	[sflag:s13] =	ssyncset.done $0x0  }
0x43: {  	[sflag:s13] =	ssyncadd.s32 $0xFFFFE000  }
0x44: {  	_ =	swait.ge [sflag:s13], $0x2000  }
0x45: {  	[sflag:s13] =	ssyncset.done $0x0  }
0x46: {  	[sflag:s13] =	ssyncadd.s32 $0xFFFFE000  }
0x47: {  	_ =	swait.ge [sflag:s13], $0x2000  }
0x48: {  	[sflag:s13] =	ssyncset.done $0x0  }
0x49: {  	[sflag:s13] =	ssyncadd.s32 $0xFFFFE000  }
0x4a: {  	_ =	swait.ge [sflag:s13], $0x2000  }
0x4b: {  	[sflag:s13] =	ssyncset.done $0x0  }
0x4c: {  	[sflag:s13] =	ssyncadd.s32 $0xFFFFE000  }
0x4d: {  	[hbm4b:s14+s2] =	stream.linear.scatter [tilespmem:s8], [sflag:$0x2], $0x2000, $0x38;
	[tilespmem:$0x8400] =	vst v63  }
0x4e: {  	_ =	swait.ge [sflag:s3], $0x2000  }
0x4f: {  	[sflag:s3] =	ssyncset.done $0x0  }
0x50: {  	[sflag:s3] =	ssyncadd.s32 $0xFFFFE000  }
0x51: {  	[hbm4b:s15+s2] =	stream.linear.scatter [tilespmem:s10], [sflag:$0x2], $0x2000, $0x38;
	[tilespmem:$0x8400] =	vst v63  }
0x52: {  	_ =	swait.ge [sflag:s3], $0x2000  }
0x53: {  	[sflag:s3] =	ssyncset.done $0x0  }
0x54: {  	[sflag:s3] =	ssyncadd.s32 $0xFFFFE000  }
0x55: {  	[hbm4b:s16+s2] =	stream.linear.scatter [tilespmem:s11], [sflag:$0x2], $0x2000, $0x38;
	[tilespmem:$0x8400] =	vst v63  }
0x56: {  	_ =	swait.ge [sflag:s3], $0x2000  }
.Ltmp1:
0x57: {  	[sflag:s3] =	ssyncset.done $0x0;
	(pc) =	sbr.rel @p0 .LBB2_1-.Ltmp1, $4  }
0x58: {  	[sflag:s3] =	ssyncadd.s32 $0xFFFFE000  }
0x59: {  	[hbm4b:s17+s2] =	stream.linear.scatter [tilespmem:s12], [sflag:$0x2], $0x2000, $0x38;
	[tilespmem:$0x8400] =	vst v63  }
0x5a: {  	_ =	swait.ge [sflag:s3], $0x2000  }
0x5b: {  	[sflag:s3] =	ssyncset.done $0x0  }
.LBB2_2:
0x5c: {  	[sflag:s3] =	ssyncadd.s32 $0xFFFFE000  }
0x5d: {  	_ =	sfence.sel $0x180000  }
0x5e: {  	[bflag:$0x0] =	sbarrier.arrive $0xFFFF  }
0x5f: {  	p0 =	sne.s32 s0, $0x0;
	_ =	strace $0x90000047  }
0x60: {  	s0 =	sadd.s32 @!p0 $0x100000, s1;
	[bflag:$0x2] =	sbarrier.arrive $0xFFFF  }
0x61: {  	[sflag:s0] =	ssyncadd.tile.s32 @!p0 $0x1;
	_ =	shalt  }
.Lfunc_end2:
_tile_overlayer_lowered:
.L_overlay_start_2:
0x62: {  	(tag) =	ssettag $0x2  }
0x63: {  	s0 =	rddreg [dreg:$0x0];
	s2 =	stileid.u32  }
0x64: {  	s1 =	rddreg [dreg:$0x1];
	p0 =	sne.s32 s2, $0x0  }
0x65: {  	s3 =	rddreg [dreg:$0x2];
	[bflag:$0x3] =	sbarrier.arrive $0xFFFF;
	s2 =	simm.s32 @!p0 $0x1C02  }
0x66: {  	[timem:s3], [sflag:s2] =	dma.local @!p0 [hbm:s0], s1  }
0x67: {  	s0 =	simm.s32 @!p0 $0x2  }
0x68: {  	_ =	swait.ge @!p0 [sflag:s0], s1  }
0x69: {  	s1 =	ssub.s32 @!p0 $0x0, s1;
	[sflag:s0] =	ssyncset.done @!p0 $0x0  }
0x6a: {  	[sflag:s0] =	ssyncadd.s32 @!p0 s1  }
0x6b: {  	[bflag:$0x3] =	sbarrier.arrive $0xFFFF  }
0x6c: {  	_ =	shalt  }

</sc_bundles>
